<compile_context>
chip_gen: v7x
topology: tpu7x:2x2x1
jax: 0.10.2.dev20260603
libtpu: 0.0.44.dev20260713+nightly
codegen_flags: <defaults>
</compile_context>

<pallas_src>
import functools

import jax
import jax.numpy as jnp
from jax import lax
from jax.experimental import pallas as pl
from jax.experimental.pallas import tpu as pltpu
from jax.experimental.pallas import tpu_sc as plsc

NC = 2
NS = 16
L = 16
K = 80


def _ab_body(f_ref, wa_ref, wb_ref, b_ref, a_ref, bb_ref):
    f = f_ref[...]
    wb = wb_ref[...]
    a_ref[...] = (
        jnp.dot(f, wa_ref[...] - wb, preferred_element_type=jnp.float32)
        + b_ref[...]
    )
    bb_ref[...] = jnp.dot(f, wb, preferred_element_type=jnp.float32)


def _combine_body(f_ref, p_ref, o_ref):
    o_ref[...] = jnp.maximum(f_ref[...] + p_ref[0] + p_ref[1], 0.0)


def _edge_body(n, epw, a_hbm, b_hbm, p1_hbm, p2_hbm, out_hbm,
               idx1, idx2, rows, acc, sem):
    c = lax.axis_index("c")
    s = lax.axis_index("s")
    w = c * NS + s
    nchunks = epw // K

    @pl.loop(0, K)
    def _zero_rows(e):
        for j in range(D_VREGS):
            rows[e, pl.ds(j * L, L)] = jnp.zeros((L,), jnp.float32)

    zchunks = n // K
    ziters = (zchunks + NS - 1) // NS

    @pl.loop(0, ziters)
    def _zero_acc(i):
        chunk = i * NS + s

        @pl.when(chunk < zchunks)
        def _():
            pltpu.sync_copy(rows, acc.at[pl.ds(chunk * K, K)])

    plsc.subcore_barrier()

    base = w * epw

    @pl.loop(0, nchunks)
    def _chunk(i):
        off = base + i * K
        pltpu.sync_copy(p1_hbm.at[pl.ds(off, K)], idx1)
        pltpu.sync_copy(p2_hbm.at[pl.ds(off, K)], idx2)
        pltpu.async_copy(a_hbm.at[idx1], rows, sem).wait()
        pltpu.async_copy(b_hbm.at[idx2], rows, sem, add=True).wait()

        @pl.loop(0, K)
        def _relu(e):
            for j in range(D_VREGS):
                sl = pl.ds(j * L, L)
                rows[e, sl] = jnp.maximum(rows[e, sl], 0.0)

        pltpu.sync_copy(rows, acc.at[idx1], add=True)

    plsc.subcore_barrier()

    @pl.loop(0, ziters)
    def _writeout(i):
        chunk = i * NS + s

        @pl.when(chunk < zchunks)
        def _():
            pltpu.sync_copy(acc.at[pl.ds(chunk * K, K)],
                            out_hbm.at[c, pl.ds(chunk * K, K)])


D_VREGS = 8


def kernel(features, ind_p1, ind_p2, W1, b1):
    n, d = features.shape
    (e,) = ind_p1.shape
    assert d == D_VREGS * L
    nw = NC * NS
    epw = e // nw
    assert epw * nw == e and epw % K == 0 and n % K == 0 and n % NS == 0

    wa = W1[:d]
    wb = W1[d:]
    b2d = jnp.reshape(b1, (1, d))

    rows_blk = 1000
    grid = n // rows_blk
    a_mat, b_mat = pl.pallas_call(
        _ab_body,
        grid=(grid,),
        in_specs=[
            pl.BlockSpec((rows_blk, d), lambda i: (i, 0)),
            pl.BlockSpec((d, d), lambda i: (0, 0)),
            pl.BlockSpec((d, d), lambda i: (0, 0)),
            pl.BlockSpec((1, d), lambda i: (0, 0)),
        ],
        out_specs=[
            pl.BlockSpec((rows_blk, d), lambda i: (i, 0)),
            pl.BlockSpec((rows_blk, d), lambda i: (i, 0)),
        ],
        out_shape=[
            jax.ShapeDtypeStruct((n, d), jnp.float32),
            jax.ShapeDtypeStruct((n, d), jnp.float32),
        ],
    )(features, wa, wb, b2d)

    mesh = plsc.VectorSubcoreMesh(core_axis_name="c", subcore_axis_name="s")
    partials = pl.kernel(
        functools.partial(_edge_body, n, epw),
        out_type=jax.ShapeDtypeStruct((NC, n, d), jnp.float32),
        mesh=mesh,
        scratch_types=[
            pltpu.VMEM((K,), jnp.int32),
            pltpu.VMEM((K,), jnp.int32),
            pltpu.VMEM((K, d), jnp.float32),
            pltpu.VMEM_SHARED((n, d), jnp.float32),
            pltpu.SemaphoreType.DMA,
        ],
    )(a_mat, b_mat, ind_p1, ind_p2)

    out = pl.pallas_call(
        _combine_body,
        grid=(grid,),
        in_specs=[
            pl.BlockSpec((rows_blk, d), lambda i: (i, 0)),
            pl.BlockSpec((NC, rows_blk, d), lambda i: (0, i, 0)),
        ],
        out_specs=pl.BlockSpec((rows_blk, d), lambda i: (i, 0)),
        out_shape=jax.ShapeDtypeStruct((n, d), jnp.float32),
    )(features, partials)
    return out

# --- scband reference (transcript-rebuilt; emitter-appended) ---
"""Pipeline reference for scband-edge-conv-block-68375879352644 (READ-ONLY COPY).

The authoritative reference and input builder live on the scoring server;
editing this copy changes nothing except your own understanding.
"""

import jax, jax.numpy as jnp
import numpy as np

N = 10000
E = 320000
D = 128

def setup_inputs(seed: int = 0):
    key = jax.random.key(seed)
    k1, k2, k3, k4 = jax.random.split(key, 4)
    features = jax.random.normal(k1, (N, D), dtype=jnp.float32)
    ind_p1 = jax.random.randint(k2, (E,), 0, N, dtype=jnp.int32)
    ind_p2 = jax.random.randint(k3, (E,), 0, N, dtype=jnp.int32)
    # single conv layer: Linear(2*D -> D); since in_feat == out_feats[-1], sc is None
    W1 = jax.random.normal(k4, (2 * D, D), dtype=jnp.float32) * 0.02
    b1 = jnp.zeros((D,), dtype=jnp.float32)
    return {"features": features, "ind_p1": ind_p1, "ind_p2": ind_p2, "W1": W1, "b1": b1}

def reference(features, ind_p1, ind_p2, W1, b1):
    # gather endpoint features per edge
    h1 = jnp.take(features, ind_p1, axis=0)
    h2 = jnp.take(features, ind_p2, axis=0) - h1
    x = jnp.concatenate([h1, h2], axis=1)
    # conv layer 0 + ReLU (dropout is identity in eval mode)
    x = jax.nn.relu(x @ W1 + b1)
    # scatter-add edge messages back to source nodes (ind_p1)
    summed = jnp.zeros((features.shape[0], x.shape[1]), dtype=x.dtype).at[ind_p1].add(x)
    # shortcut: sc is None because in_feat == out_feats[-1], so sc = features
    out = jax.nn.relu(features + summed)
    return out

if __name__ == "__main__":
    import jax
    _d = setup_inputs()
    print(jax.jit(kernel)(*tuple(_d.values())))

</pallas_src>

<mosaic_0001>
#map = affine_map<(d0, d1) -> (0, 0)>
#map1 = affine_map<(d0, d1) -> (0)>
#map2 = affine_map<(d0, d1) -> (0, 0, 0)>
module attributes {stable_mosaic.version = 14 : i64} {
  func.func @_edge_body(%arg0: i32, %arg1: i32, %arg2: memref<10000x128xf32, #tpu.memory_space<hbm>>, %arg3: memref<10000x128xf32, #tpu.memory_space<hbm>>, %arg4: memref<320000xi32, #tpu.memory_space<hbm>>, %arg5: memref<320000xi32, #tpu.memory_space<hbm>>, %arg6: memref<2x10000x128xf32, #tpu.memory_space<hbm>>, %arg7: memref<80xi32, #tpu.memory_space<vmem>>, %arg8: memref<80xi32, #tpu.memory_space<vmem>>, %arg9: memref<80x128xf32, #tpu.memory_space<vmem>>, %arg10: memref<10000x128xf32, #tpu.memory_space<vmem_shared>>, %arg11: memref<!tpu.dma_semaphore, #tpu.memory_space<semaphore_mem>>) attributes {dimension_semantics = [#tpu.dimension_semantics<core_parallel>, #tpu.dimension_semantics<subcore_parallel>], iteration_bounds = array<i64: 2, 16>, scalar_prefetch = 0 : i64, scratch_operands = 5 : i64, tpu.core_type = #tpu.core_type<sc_vector_subcore>, window_params = [{transform_indices = #map}, {transform_indices = #map}, {transform_indices = #map1}, {transform_indices = #map1}, {transform_indices = #map2}]} {
    %mul3A = arith.constant 16 : i32
    %mul3A_0 = arith.muli %arg0, %mul3A : i32
    %add3A = arith.addi %mul3A_0, %arg1 : i32
    %scan3A = arith.constant 0 : i32
    %scan3A_1 = arith.constant 80 : i32
    %scan3A_2 = arith.addi %scan3A, %scan3A_1 : i32
    %scan3A_3 = arith.constant 1 : i32
    scf.for %scan3A_23 = %scan3A to %scan3A_2 step %scan3A_3  : i32 {
      %mul3A_24 = arith.constant 1 : i32
      %mul3A_25 = arith.muli %scan3A_23, %mul3A_24 : i32
      %add3A_26 = arith.constant 0 : i32
      %add3A_27 = arith.addi %add3A_26, %mul3A_25 : i32
      %broadcast_in_dim3A = arith.constant 0.000000e+00 : f32
      %broadcast_in_dim3A_28 = vector.broadcast %broadcast_in_dim3A : f32 to vector<16xf32>
      %swap3A = arith.index_cast %add3A_27 : i32 to index
      %swap3A_29 = arith.constant 0 : index
      %swap3A_30 = tpu.vector_load %arg9[%swap3A, %swap3A_29] {strides = array<i32>} : memref<80x128xf32, #tpu.memory_space<vmem>>, vector<1x16xf32>,
      %swap3A_31 = vector.shape_cast %swap3A_30 : vector<1x16xf32> to vector<16xf32>
      %swap3A_32 = vector.shape_cast %broadcast_in_dim3A_28 : vector<16xf32> to vector<1x16xf32>
      tpu.vector_store %arg9[%swap3A, %swap3A_29], %swap3A_32 {strides = array<i32>} : memref<80x128xf32, #tpu.memory_space<vmem>>, vector<1x16xf32>,
      %broadcast_in_dim3A_33 = arith.constant 0.000000e+00 : f32
      %broadcast_in_dim3A_34 = vector.broadcast %broadcast_in_dim3A_33 : f32 to vector<16xf32>
      %swap3A_35 = arith.index_cast %add3A_27 : i32 to index
      %swap3A_36 = arith.constant 16 : index
      %swap3A_37 = tpu.vector_load %arg9[%swap3A_35, %swap3A_36] {strides = array<i32>} : memref<80x128xf32, #tpu.memory_space<vmem>>, vector<1x16xf32>,
      %swap3A_38 = vector.shape_cast %swap3A_37 : vector<1x16xf32> to vector<16xf32>
      %swap3A_39 = vector.shape_cast %broadcast_in_dim3A_34 : vector<16xf32> to vector<1x16xf32>
      tpu.vector_store %arg9[%swap3A_35, %swap3A_36], %swap3A_39 {strides = array<i32>} : memref<80x128xf32, #tpu.memory_space<vmem>>, vector<1x16xf32>,
      %broadcast_in_dim3A_40 = arith.constant 0.000000e+00 : f32
      %broadcast_in_dim3A_41 = vector.broadcast %broadcast_in_dim3A_40 : f32 to vector<16xf32>
      %swap3A_42 = arith.index_cast %add3A_27 : i32 to index
      %swap3A_43 = arith.constant 32 : index
      %swap3A_44 = tpu.vector_load %arg9[%swap3A_42, %swap3A_43] {strides = array<i32>} : memref<80x128xf32, #tpu.memory_space<vmem>>, vector<1x16xf32>,
      %swap3A_45 = vector.shape_cast %swap3A_44 : vector<1x16xf32> to vector<16xf32>
      %swap3A_46 = vector.shape_cast %broadcast_in_dim3A_41 : vector<16xf32> to vector<1x16xf32>
      tpu.vector_store %arg9[%swap3A_42, %swap3A_43], %swap3A_46 {strides = array<i32>} : memref<80x128xf32, #tpu.memory_space<vmem>>, vector<1x16xf32>,
      %broadcast_in_dim3A_47 = arith.constant 0.000000e+00 : f32
      %broadcast_in_dim3A_48 = vector.broadcast %broadcast_in_dim3A_47 : f32 to vector<16xf32>
      %swap3A_49 = arith.index_cast %add3A_27 : i32 to index
      %swap3A_50 = arith.constant 48 : index
      %swap3A_51 = tpu.vector_load %arg9[%swap3A_49, %swap3A_50] {strides = array<i32>} : memref<80x128xf32, #tpu.memory_space<vmem>>, vector<1x16xf32>,
      %swap3A_52 = vector.shape_cast %swap3A_51 : vector<1x16xf32> to vector<16xf32>
      %swap3A_53 = vector.shape_cast %broadcast_in_dim3A_48 : vector<16xf32> to vector<1x16xf32>
      tpu.vector_store %arg9[%swap3A_49, %swap3A_50], %swap3A_53 {strides = array<i32>} : memref<80x128xf32, #tpu.memory_space<vmem>>, vector<1x16xf32>,
      %broadcast_in_dim3A_54 = arith.constant 0.000000e+00 : f32
      %broadcast_in_dim3A_55 = vector.broadcast %broadcast_in_dim3A_54 : f32 to vector<16xf32>
      %swap3A_56 = arith.index_cast %add3A_27 : i32 to index
      %swap3A_57 = arith.constant 64 : index
      %swap3A_58 = tpu.vector_load %arg9[%swap3A_56, %swap3A_57] {strides = array<i32>} : memref<80x128xf32, #tpu.memory_space<vmem>>, vector<1x16xf32>,
      %swap3A_59 = vector.shape_cast %swap3A_58 : vector<1x16xf32> to vector<16xf32>
      %swap3A_60 = vector.shape_cast %broadcast_in_dim3A_55 : vector<16xf32> to vector<1x16xf32>
      tpu.vector_store %arg9[%swap3A_56, %swap3A_57], %swap3A_60 {strides = array<i32>} : memref<80x128xf32, #tpu.memory_space<vmem>>, vector<1x16xf32>,
      %broadcast_in_dim3A_61 = arith.constant 0.000000e+00 : f32
      %broadcast_in_dim3A_62 = vector.broadcast %broadcast_in_dim3A_61 : f32 to vector<16xf32>
      %swap3A_63 = arith.index_cast %add3A_27 : i32 to index
      %swap3A_64 = arith.constant 80 : index
      %swap3A_65 = tpu.vector_load %arg9[%swap3A_63, %swap3A_64] {strides = array<i32>} : memref<80x128xf32, #tpu.memory_space<vmem>>, vector<1x16xf32>,
      %swap3A_66 = vector.shape_cast %swap3A_65 : vector<1x16xf32> to vector<16xf32>
      %swap3A_67 = vector.shape_cast %broadcast_in_dim3A_62 : vector<16xf32> to vector<1x16xf32>
      tpu.vector_store %arg9[%swap3A_63, %swap3A_64], %swap3A_67 {strides = array<i32>} : memref<80x128xf32, #tpu.memory_space<vmem>>, vector<1x16xf32>,
      %broadcast_in_dim3A_68 = arith.constant 0.000000e+00 : f32
      %broadcast_in_dim3A_69 = vector.broadcast %broadcast_in_dim3A_68 : f32 to vector<16xf32>
      %swap3A_70 = arith.index_cast %add3A_27 : i32 to index
      %swap3A_71 = arith.constant 96 : index
      %swap3A_72 = tpu.vector_load %arg9[%swap3A_70, %swap3A_71] {strides = array<i32>} : memref<80x128xf32, #tpu.memory_space<vmem>>, vector<1x16xf32>,
      %swap3A_73 = vector.shape_cast %swap3A_72 : vector<1x16xf32> to vector<16xf32>
      %swap3A_74 = vector.shape_cast %broadcast_in_dim3A_69 : vector<16xf32> to vector<1x16xf32>
      tpu.vector_store %arg9[%swap3A_70, %swap3A_71], %swap3A_74 {strides = array<i32>} : memref<80x128xf32, #tpu.memory_space<vmem>>, vector<1x16xf32>,
      %broadcast_in_dim3A_75 = arith.constant 0.000000e+00 : f32
      %broadcast_in_dim3A_76 = vector.broadcast %broadcast_in_dim3A_75 : f32 to vector<16xf32>
      %swap3A_77 = arith.index_cast %add3A_27 : i32 to index
      %swap3A_78 = arith.constant 112 : index
      %swap3A_79 = tpu.vector_load %arg9[%swap3A_77, %swap3A_78] {strides = array<i32>} : memref<80x128xf32, #tpu.memory_space<vmem>>, vector<1x16xf32>,
      %swap3A_80 = vector.shape_cast %swap3A_79 : vector<1x16xf32> to vector<16xf32>
      %swap3A_81 = vector.shape_cast %broadcast_in_dim3A_76 : vector<16xf32> to vector<1x16xf32>
      tpu.vector_store %arg9[%swap3A_77, %swap3A_78], %swap3A_81 {strides = array<i32>} : memref<80x128xf32, #tpu.memory_space<vmem>>, vector<1x16xf32>,
    }
    %scan3A_4 = arith.constant 80 : i32
    %scan3A_5 = arith.constant 0 : i32
    %scan3A_6 = arith.constant 8 : i32
    %scan3A_7 = arith.addi %scan3A_5, %scan3A_6 : i32
    %scan3A_8 = arith.constant 1 : i32
    scf.for %scan3A_23 = %scan3A_5 to %scan3A_7 step %scan3A_8  : i32 {
      %mul3A_24 = arith.constant 1 : i32
      %mul3A_25 = arith.muli %scan3A_23, %mul3A_24 : i32
      %add3A_26 = arith.constant 0 : i32
      %add3A_27 = arith.addi %add3A_26, %mul3A_25 : i32
      %mul3A_28 = arith.constant 16 : i32
      %mul3A_29 = arith.muli %add3A_27, %mul3A_28 : i32
      %add3A_30 = arith.addi %mul3A_29, %arg1 : i32
      %lt3A = arith.constant 125 : i32
      %lt3A_31 = arith.cmpi slt, %add3A_30, %lt3A : i32
      %convert_element_type3A = arith.extui %lt3A_31 : i1 to i32
      %cond3A = arith.constant 0 : i32
      %cond3A_32 = arith.cmpi ne, %convert_element_type3A, %cond3A : i32
      scf.if %cond3A_32 {
        %mul3A_33 = arith.constant 80 : i32
        %mul3A_34 = arith.muli %add3A_30, %mul3A_33 : i32
        "tpu.region"() ({
          %run_scoped3A = tpu.sem_alloc : memref<!tpu.dma_semaphore, #tpu.memory_space<semaphore_mem>>
          %dma_start3A = arith.constant 0 : i32
          %dma_start3A_35 = tpu.memref_slice %arg10[%mul3A_34, %dma_start3A] : memref<10000x128xf32, #tpu.memory_space<vmem_shared>> -> memref<80x128xf32, #tpu.memory_space<vmem_shared>>
          %dma_start3A_36 = arith.constant 0 : i32
          %dma_start3A_37 = tpu.memref_slice %arg10[%mul3A_34, %dma_start3A_36] : memref<10000x128xf32, #tpu.memory_space<vmem_shared>> -> memref<80x128xf32, #tpu.memory_space<vmem_shared>>
          tpu.enqueue_dma source(%arg9 : memref<80x128xf32, #tpu.memory_space<vmem>>) target(%dma_start3A_37 : memref<80x128xf32, #tpu.memory_space<vmem_shared>>) target_semaphore(%run_scoped3A : memref<!tpu.dma_semaphore, #tpu.memory_space<semaphore_mem>>)
          %dma_wait3A = arith.constant 0 : i32
          %dma_wait3A_38 = tpu.memref_slice %arg10[%mul3A_34, %dma_wait3A] : memref<10000x128xf32, #tpu.memory_space<vmem_shared>> -> memref<80x128xf32, #tpu.memory_space<vmem_shared>>
          %dma_wait3A_39 = arith.constant 0 : i32
          %dma_wait3A_40 = tpu.memref_slice %arg10[%mul3A_34, %dma_wait3A_39] : memref<10000x128xf32, #tpu.memory_space<vmem_shared>> -> memref<80x128xf32, #tpu.memory_space<vmem_shared>>
          tpu.wait_dma2 semaphore(%run_scoped3A : memref<!tpu.dma_semaphore, #tpu.memory_space<semaphore_mem>>) src(%arg9 : memref<80x128xf32, #tpu.memory_space<vmem>>) dst(%dma_wait3A_40 : memref<80x128xf32, #tpu.memory_space<vmem_shared>>)
          tpu.yield
        }) : () -> ()
      } else {
      }
    }
    %scan3A_9 = arith.constant 8 : i32
    %barrier3A = arith.constant 0 : index
    tpu.barrier barrier_id(%barrier3A)
    %mul3A_10 = arith.constant 10000 : i32
    %mul3A_11 = arith.muli %add3A, %mul3A_10 : i32
    %scan3A_12 = arith.constant 0 : i32
    %scan3A_13 = arith.constant 125 : i32
    %scan3A_14 = arith.addi %scan3A_12, %scan3A_13 : i32
    %scan3A_15 = arith.constant 1 : i32
    scf.for %scan3A_23 = %scan3A_12 to %scan3A_14 step %scan3A_15  : i32 {
      %mul3A_24 = arith.constant 1 : i32
      %mul3A_25 = arith.muli %scan3A_23, %mul3A_24 : i32
      %add3A_26 = arith.constant 0 : i32
      %add3A_27 = arith.addi %add3A_26, %mul3A_25 : i32
      %mul3A_28 = arith.constant 80 : i32
      %mul3A_29 = arith.muli %add3A_27, %mul3A_28 : i32
      %add3A_30 = arith.addi %mul3A_11, %mul3A_29 : i32
      "tpu.region"() ({
        %run_scoped3A = tpu.sem_alloc : memref<!tpu.dma_semaphore, #tpu.memory_space<semaphore_mem>>
        %dma_start3A_46 = tpu.memref_slice %arg4[%add3A_30] : memref<320000xi32, #tpu.memory_space<hbm>> -> memref<80xi32, #tpu.memory_space<hbm>>
        %dma_start3A_47 = tpu.memref_slice %arg4[%add3A_30] : memref<320000xi32, #tpu.memory_space<hbm>> -> memref<80xi32, #tpu.memory_space<hbm>>
        tpu.enqueue_dma source(%dma_start3A_47 : memref<80xi32, #tpu.memory_space<hbm>>) target(%arg7 : memref<80xi32, #tpu.memory_space<vmem>>) target_semaphore(%run_scoped3A : memref<!tpu.dma_semaphore, #tpu.memory_space<semaphore_mem>>)
        %dma_wait3A_48 = tpu.memref_slice %arg4[%add3A_30] : memref<320000xi32, #tpu.memory_space<hbm>> -> memref<80xi32, #tpu.memory_space<hbm>>
        %dma_wait3A_49 = tpu.memref_slice %arg4[%add3A_30] : memref<320000xi32, #tpu.memory_space<hbm>> -> memref<80xi32, #tpu.memory_space<hbm>>
        tpu.wait_dma2 semaphore(%run_scoped3A : memref<!tpu.dma_semaphore, #tpu.memory_space<semaphore_mem>>) src(%dma_wait3A_49 : memref<80xi32, #tpu.memory_space<hbm>>) dst(%arg7 : memref<80xi32, #tpu.memory_space<vmem>>)
        tpu.yield
      }) : () -> ()
      "tpu.region"() ({
        %run_scoped3A = tpu.sem_alloc : memref<!tpu.dma_semaphore, #tpu.memory_space<semaphore_mem>>
        %dma_start3A_46 = tpu.memref_slice %arg5[%add3A_30] : memref<320000xi32, #tpu.memory_space<hbm>> -> memref<80xi32, #tpu.memory_space<hbm>>
        %dma_start3A_47 = tpu.memref_slice %arg5[%add3A_30] : memref<320000xi32, #tpu.memory_space<hbm>> -> memref<80xi32, #tpu.memory_space<hbm>>
        tpu.enqueue_dma source(%dma_start3A_47 : memref<80xi32, #tpu.memory_space<hbm>>) target(%arg8 : memref<80xi32, #tpu.memory_space<vmem>>) target_semaphore(%run_scoped3A : memref<!tpu.dma_semaphore, #tpu.memory_space<semaphore_mem>>)
        %dma_wait3A_48 = tpu.memref_slice %arg5[%add3A_30] : memref<320000xi32, #tpu.memory_space<hbm>> -> memref<80xi32, #tpu.memory_space<hbm>>
        %dma_wait3A_49 = tpu.memref_slice %arg5[%add3A_30] : memref<320000xi32, #tpu.memory_space<hbm>> -> memref<80xi32, #tpu.memory_space<hbm>>
        tpu.wait_dma2 semaphore(%run_scoped3A : memref<!tpu.dma_semaphore, #tpu.memory_space<semaphore_mem>>) src(%dma_wait3A_49 : memref<80xi32, #tpu.memory_space<hbm>>) dst(%arg8 : memref<80xi32, #tpu.memory_space<vmem>>)
        tpu.yield
      }) : () -> ()
      %dma_start3A = arith.constant 0 : i32
      %dma_start3A_31 = arith.constant 0 : i32
      %dma_start3A_32 = tpu.memref_slice %arg2[%dma_start3A, %dma_start3A_31] : memref<10000x128xf32, #tpu.memory_space<hbm>> -> memref<10000x128xf32, #tpu.memory_space<hbm>>
      tpu.enqueue_indirect_dma source(%dma_start3A_32 : memref<10000x128xf32, #tpu.memory_space<hbm>>) target(%arg9 : memref<80x128xf32, #tpu.memory_space<vmem>>) offsets(%arg7 : memref<80xi32, #tpu.memory_space<vmem>>) semaphore(%arg11 : memref<!tpu.dma_semaphore, #tpu.memory_space<semaphore_mem>>)
      %dma_wait3A = arith.constant 0 : i32
      %dma_wait3A_33 = arith.constant 0 : i32
      %dma_wait3A_34 = tpu.memref_slice %arg2[%dma_wait3A, %dma_wait3A_33] : memref<10000x128xf32, #tpu.memory_space<hbm>> -> memref<10000x128xf32, #tpu.memory_space<hbm>>
      tpu.wait_indirect_dma semaphore(%arg11 : memref<!tpu.dma_semaphore, #tpu.memory_space<semaphore_mem>>) src(%dma_wait3A_34 : memref<10000x128xf32, #tpu.memory_space<hbm>>) dst(%arg9 : memref<80x128xf32, #tpu.memory_space<vmem>>)
      %dma_start3A_35 = arith.constant 0 : i32
      %dma_start3A_36 = arith.constant 0 : i32
      %dma_start3A_37 = tpu.memref_slice %arg3[%dma_start3A_35, %dma_start3A_36] : memref<10000x128xf32, #tpu.memory_space<hbm>> -> memref<10000x128xf32, #tpu.memory_space<hbm>>
      tpu.enqueue_indirect_dma source(%dma_start3A_37 : memref<10000x128xf32, #tpu.memory_space<hbm>>) target(%arg9 : memref<80x128xf32, #tpu.memory_space<vmem>>) offsets(%arg8 : memref<80xi32, #tpu.memory_space<vmem>>) semaphore(%arg11 : memref<!tpu.dma_semaphore, #tpu.memory_space<semaphore_mem>>) {add = true}
      %dma_wait3A_38 = arith.constant 0 : i32
      %dma_wait3A_39 = arith.constant 0 : i32
      %dma_wait3A_40 = tpu.memref_slice %arg3[%dma_wait3A_38, %dma_wait3A_39] : memref<10000x128xf32, #tpu.memory_space<hbm>> -> memref<10000x128xf32, #tpu.memory_space<hbm>>
      tpu.wait_indirect_dma semaphore(%arg11 : memref<!tpu.dma_semaphore, #tpu.memory_space<semaphore_mem>>) src(%dma_wait3A_40 : memref<10000x128xf32, #tpu.memory_space<hbm>>) dst(%arg9 : memref<80x128xf32, #tpu.memory_space<vmem>>)
      %scan3A_41 = arith.constant 0 : i32
      %scan3A_42 = arith.constant 80 : i32
      %scan3A_43 = arith.addi %scan3A_41, %scan3A_42 : i32
      %scan3A_44 = arith.constant 1 : i32
      scf.for %scan3A_46 = %scan3A_41 to %scan3A_43 step %scan3A_44  : i32 {
        %mul3A_47 = arith.constant 1 : i32
        %mul3A_48 = arith.muli %scan3A_46, %mul3A_47 : i32
        %add3A_49 = arith.constant 0 : i32
        %add3A_50 = arith.addi %add3A_49, %mul3A_48 : i32
        %get3A = arith.index_cast %add3A_50 : i32 to index
        %get3A_51 = arith.constant 0 : index
        %get3A_52 = tpu.vector_load %arg9[%get3A, %get3A_51] {strides = array<i32>} : memref<80x128xf32, #tpu.memory_space<vmem>>, vector<1x16xf32>,
        %get3A_53 = vector.shape_cast %get3A_52 : vector<1x16xf32> to vector<16xf32>
        %max3A = arith.constant 0.000000e+00 : f32
        %max3A_54 = vector.broadcast %max3A : f32 to vector<16xf32>
        %max3A_55 = arith.maximumf %get3A_53, %max3A_54 : vector<16xf32>
        %swap3A = arith.index_cast %add3A_50 : i32 to index
        %swap3A_56 = arith.constant 0 : index
        %swap3A_57 = tpu.vector_load %arg9[%swap3A, %swap3A_56] {strides = array<i32>} : memref<80x128xf32, #tpu.memory_space<vmem>>, vector<1x16xf32>,
        %swap3A_58 = vector.shape_cast %swap3A_57 : vector<1x16xf32> to vector<16xf32>
        %swap3A_59 = vector.shape_cast %max3A_55 : vector<16xf32> to vector<1x16xf32>
        tpu.vector_store %arg9[%swap3A, %swap3A_56], %swap3A_59 {strides = array<i32>} : memref<80x128xf32, #tpu.memory_space<vmem>>, vector<1x16xf32>,
        %get3A_60 = arith.index_cast %add3A_50 : i32 to index
        %get3A_61 = arith.constant 16 : index
        %get3A_62 = tpu.vector_load %arg9[%get3A_60, %get3A_61] {strides = array<i32>} : memref<80x128xf32, #tpu.memory_space<vmem>>, vector<1x16xf32>,
        %get3A_63 = vector.shape_cast %get3A_62 : vector<1x16xf32> to vector<16xf32>
        %max3A_64 = arith.constant 0.000000e+00 : f32
        %max3A_65 = vector.broadcast %max3A_64 : f32 to vector<16xf32>
        %max3A_66 = arith.maximumf %get3A_63, %max3A_65 : vector<16xf32>
        %swap3A_67 = arith.index_cast %add3A_50 : i32 to index
        %swap3A_68 = arith.constant 16 : index
        %swap3A_69 = tpu.vector_load %arg9[%swap3A_67, %swap3A_68] {strides = array<i32>} : memref<80x128xf32, #tpu.memory_space<vmem>>, vector<1x16xf32>,
        %swap3A_70 = vector.shape_cast %swap3A_69 : vector<1x16xf32> to vector<16xf32>
        %swap3A_71 = vector.shape_cast %max3A_66 : vector<16xf32> to vector<1x16xf32>
        tpu.vector_store %arg9[%swap3A_67, %swap3A_68], %swap3A_71 {strides = array<i32>} : memref<80x128xf32, #tpu.memory_space<vmem>>, vector<1x16xf32>,
        %get3A_72 = arith.index_cast %add3A_50 : i32 to index
        %get3A_73 = arith.constant 32 : index
        %get3A_74 = tpu.vector_load %arg9[%get3A_72, %get3A_73] {strides = array<i32>} : memref<80x128xf32, #tpu.memory_space<vmem>>, vector<1x16xf32>,
        %get3A_75 = vector.shape_cast %get3A_74 : vector<1x16xf32> to vector<16xf32>
        %max3A_76 = arith.constant 0.000000e+00 : f32
        %max3A_77 = vector.broadcast %max3A_76 : f32 to vector<16xf32>
        %max3A_78 = arith.maximumf %get3A_75, %max3A_77 : vector<16xf32>
        %swap3A_79 = arith.index_cast %add3A_50 : i32 to index
        %swap3A_80 = arith.constant 32 : index
        %swap3A_81 = tpu.vector_load %arg9[%swap3A_79, %swap3A_80] {strides = array<i32>} : memref<80x128xf32, #tpu.memory_space<vmem>>, vector<1x16xf32>,
        %swap3A_82 = vector.shape_cast %swap3A_81 : vector<1x16xf32> to vector<16xf32>
        %swap3A_83 = vector.shape_cast %max3A_78 : vector<16xf32> to vector<1x16xf32>
        tpu.vector_store %arg9[%swap3A_79, %swap3A_80], %swap3A_83 {strides = array<i32>} : memref<80x128xf32, #tpu.memory_space<vmem>>, vector<1x16xf32>,
        %get3A_84 = arith.index_cast %add3A_50 : i32 to index
        %get3A_85 = arith.constant 48 : index
        %get3A_86 = tpu.vector_load %arg9[%get3A_84, %get3A_85] {strides = array<i32>} : memref<80x128xf32, #tpu.memory_space<vmem>>, vector<1x16xf32>,
        %get3A_87 = vector.shape_cast %get3A_86 : vector<1x16xf32> to vector<16xf32>
        %max3A_88 = arith.constant 0.000000e+00 : f32
        %max3A_89 = vector.broadcast %max3A_88 : f32 to vector<16xf32>
        %max3A_90 = arith.maximumf %get3A_87, %max3A_89 : vector<16xf32>
        %swap3A_91 = arith.index_cast %add3A_50 : i32 to index
        %swap3A_92 = arith.constant 48 : index
        %swap3A_93 = tpu.vector_load %arg9[%swap3A_91, %swap3A_92] {strides = array<i32>} : memref<80x128xf32, #tpu.memory_space<vmem>>, vector<1x16xf32>,
        %swap3A_94 = vector.shape_cast %swap3A_93 : vector<1x16xf32> to vector<16xf32>
        %swap3A_95 = vector.shape_cast %max3A_90 : vector<16xf32> to vector<1x16xf32>
        tpu.vector_store %arg9[%swap3A_91, %swap3A_92], %swap3A_95 {strides = array<i32>} : memref<80x128xf32, #tpu.memory_space<vmem>>, vector<1x16xf32>,
        %get3A_96 = arith.index_cast %add3A_50 : i32 to index
        %get3A_97 = arith.constant 64 : index
        %get3A_98 = tpu.vector_load %arg9[%get3A_96, %get3A_97] {strides = array<i32>} : memref<80x128xf32, #tpu.memory_space<vmem>>, vector<1x16xf32>,
        %get3A_99 = vector.shape_cast %get3A_98 : vector<1x16xf32> to vector<16xf32>
        %max3A_100 = arith.constant 0.000000e+00 : f32
        %max3A_101 = vector.broadcast %max3A_100 : f32 to vector<16xf32>
        %max3A_102 = arith.maximumf %get3A_99, %max3A_101 : vector<16xf32>
        %swap3A_103 = arith.index_cast %add3A_50 : i32 to index
        %swap3A_104 = arith.constant 64 : index
        %swap3A_105 = tpu.vector_load %arg9[%swap3A_103, %swap3A_104] {strides = array<i32>} : memref<80x128xf32, #tpu.memory_space<vmem>>, vector<1x16xf32>,
        %swap3A_106 = vector.shape_cast %swap3A_105 : vector<1x16xf32> to vector<16xf32>
        %swap3A_107 = vector.shape_cast %max3A_102 : vector<16xf32> to vector<1x16xf32>
        tpu.vector_store %arg9[%swap3A_103, %swap3A_104], %swap3A_107 {strides = array<i32>} : memref<80x128xf32, #tpu.memory_space<vmem>>, vector<1x16xf32>,
        %get3A_108 = arith.index_cast %add3A_50 : i32 to index
        %get3A_109 = arith.constant 80 : index
        %get3A_110 = tpu.vector_load %arg9[%get3A_108, %get3A_109] {strides = array<i32>} : memref<80x128xf32, #tpu.memory_space<vmem>>, vector<1x16xf32>,
        %get3A_111 = vector.shape_cast %get3A_110 : vector<1x16xf32> to vector<16xf32>
        %max3A_112 = arith.constant 0.000000e+00 : f32
        %max3A_113 = vector.broadcast %max3A_112 : f32 to vector<16xf32>
        %max3A_114 = arith.maximumf %get3A_111, %max3A_113 : vector<16xf32>
        %swap3A_115 = arith.index_cast %add3A_50 : i32 to index
        %swap3A_116 = arith.constant 80 : index
        %swap3A_117 = tpu.vector_load %arg9[%swap3A_115, %swap3A_116] {strides = array<i32>} : memref<80x128xf32, #tpu.memory_space<vmem>>, vector<1x16xf32>,
        %swap3A_118 = vector.shape_cast %swap3A_117 : vector<1x16xf32> to vector<16xf32>
        %swap3A_119 = vector.shape_cast %max3A_114 : vector<16xf32> to vector<1x16xf32>
        tpu.vector_store %arg9[%swap3A_115, %swap3A_116], %swap3A_119 {strides = array<i32>} : memref<80x128xf32, #tpu.memory_space<vmem>>, vector<1x16xf32>,
        %get3A_120 = arith.index_cast %add3A_50 : i32 to index
        %get3A_121 = arith.constant 96 : index
        %get3A_122 = tpu.vector_load %arg9[%get3A_120, %get3A_121] {strides = array<i32>} : memref<80x128xf32, #tpu.memory_space<vmem>>, vector<1x16xf32>,
        %get3A_123 = vector.shape_cast %get3A_122 : vector<1x16xf32> to vector<16xf32>
        %max3A_124 = arith.constant 0.000000e+00 : f32
        %max3A_125 = vector.broadcast %max3A_124 : f32 to vector<16xf32>
        %max3A_126 = arith.maximumf %get3A_123, %max3A_125 : vector<16xf32>
        %swap3A_127 = arith.index_cast %add3A_50 : i32 to index
        %swap3A_128 = arith.constant 96 : index
        %swap3A_129 = tpu.vector_load %arg9[%swap3A_127, %swap3A_128] {strides = array<i32>} : memref<80x128xf32, #tpu.memory_space<vmem>>, vector<1x16xf32>,
        %swap3A_130 = vector.shape_cast %swap3A_129 : vector<1x16xf32> to vector<16xf32>
        %swap3A_131 = vector.shape_cast %max3A_126 : vector<16xf32> to vector<1x16xf32>
        tpu.vector_store %arg9[%swap3A_127, %swap3A_128], %swap3A_131 {strides = array<i32>} : memref<80x128xf32, #tpu.memory_space<vmem>>, vector<1x16xf32>,
        %get3A_132 = arith.index_cast %add3A_50 : i32 to index
        %get3A_133 = arith.constant 112 : index
        %get3A_134 = tpu.vector_load %arg9[%get3A_132, %get3A_133] {strides = array<i32>} : memref<80x128xf32, #tpu.memory_space<vmem>>, vector<1x16xf32>,
        %get3A_135 = vector.shape_cast %get3A_134 : vector<1x16xf32> to vector<16xf32>
        %max3A_136 = arith.constant 0.000000e+00 : f32
        %max3A_137 = vector.broadcast %max3A_136 : f32 to vector<16xf32>
        %max3A_138 = arith.maximumf %get3A_135, %max3A_137 : vector<16xf32>
        %swap3A_139 = arith.index_cast %add3A_50 : i32 to index
        %swap3A_140 = arith.constant 112 : index
        %swap3A_141 = tpu.vector_load %arg9[%swap3A_139, %swap3A_140] {strides = array<i32>} : memref<80x128xf32, #tpu.memory_space<vmem>>, vector<1x16xf32>,
        %swap3A_142 = vector.shape_cast %swap3A_141 : vector<1x16xf32> to vector<16xf32>
        %swap3A_143 = vector.shape_cast %max3A_138 : vector<16xf32> to vector<1x16xf32>
        tpu.vector_store %arg9[%swap3A_139, %swap3A_140], %swap3A_143 {strides = array<i32>} : memref<80x128xf32, #tpu.memory_space<vmem>>, vector<1x16xf32>,
      }
      %scan3A_45 = arith.constant 80 : i32
      "tpu.region"() ({
        %run_scoped3A = tpu.sem_alloc : memref<!tpu.dma_semaphore, #tpu.memory_space<semaphore_mem>>
        %dma_start3A_46 = arith.constant 0 : i32
        %dma_start3A_47 = arith.constant 0 : i32
        %dma_start3A_48 = tpu.memref_slice %arg10[%dma_start3A_46, %dma_start3A_47] : memref<10000x128xf32, #tpu.memory_space<vmem_shared>> -> memref<10000x128xf32, #tpu.memory_space<vmem_shared>>
        tpu.enqueue_indirect_dma source(%arg9 : memref<80x128xf32, #tpu.memory_space<vmem>>) target(%dma_start3A_48 : memref<10000x128xf32, #tpu.memory_space<vmem_shared>>) offsets(%arg7 : memref<80xi32, #tpu.memory_space<vmem>>) semaphore(%run_scoped3A : memref<!tpu.dma_semaphore, #tpu.memory_space<semaphore_mem>>) {add = true}
        %dma_wait3A_49 = arith.constant 0 : i32
        %dma_wait3A_50 = arith.constant 0 : i32
        %dma_wait3A_51 = tpu.memref_slice %arg10[%dma_wait3A_49, %dma_wait3A_50] : memref<10000x128xf32, #tpu.memory_space<vmem_shared>> -> memref<10000x128xf32, #tpu.memory_space<vmem_shared>>
        tpu.wait_indirect_dma semaphore(%run_scoped3A : memref<!tpu.dma_semaphore, #tpu.memory_space<semaphore_mem>>) src(%arg9 : memref<80x128xf32, #tpu.memory_space<vmem>>) dst(%dma_wait3A_51 : memref<10000x128xf32, #tpu.memory_space<vmem_shared>>)
        tpu.yield
      }) : () -> ()
    }
    %scan3A_16 = arith.constant 125 : i32
    %barrier3A_17 = arith.constant 0 : index
    tpu.barrier barrier_id(%barrier3A_17)
    %scan3A_18 = arith.constant 0 : i32
    %scan3A_19 = arith.constant 8 : i32
    %scan3A_20 = arith.addi %scan3A_18, %scan3A_19 : i32
    %scan3A_21 = arith.constant 1 : i32
    scf.for %scan3A_23 = %scan3A_18 to %scan3A_20 step %scan3A_21  : i32 {
      %mul3A_24 = arith.constant 1 : i32
      %mul3A_25 = arith.muli %scan3A_23, %mul3A_24 : i32
      %add3A_26 = arith.constant 0 : i32
      %add3A_27 = arith.addi %add3A_26, %mul3A_25 : i32
      %mul3A_28 = arith.constant 16 : i32
      %mul3A_29 = arith.muli %add3A_27, %mul3A_28 : i32
      %add3A_30 = arith.addi %mul3A_29, %arg1 : i32
      %lt3A = arith.constant 125 : i32
      %lt3A_31 = arith.cmpi slt, %add3A_30, %lt3A : i32
      %convert_element_type3A = arith.extui %lt3A_31 : i1 to i32
      %cond3A = arith.constant 0 : i32
      %cond3A_32 = arith.cmpi ne, %convert_element_type3A, %cond3A : i32
      scf.if %cond3A_32 {
        %mul3A_33 = arith.constant 80 : i32
        %mul3A_34 = arith.muli %add3A_30, %mul3A_33 : i32
        %mul3A_35 = arith.constant 80 : i32
        %mul3A_36 = arith.muli %add3A_30, %mul3A_35 : i32
        "tpu.region"() ({
          %run_scoped3A = tpu.sem_alloc : memref<!tpu.dma_semaphore, #tpu.memory_space<semaphore_mem>>
          %dma_start3A = arith.constant 0 : i32
          %dma_start3A_37 = tpu.memref_slice %arg6[%arg0, %mul3A_36, %dma_start3A] : memref<2x10000x128xf32, #tpu.memory_space<hbm>> -> memref<1x80x128xf32, #tpu.memory_space<hbm>>
          %dma_start3A_38 = tpu.memref_squeeze %dma_start3A_37 : memref<1x80x128xf32, #tpu.memory_space<hbm>> -> memref<80x128xf32, #tpu.memory_space<hbm>>
          %dma_start3A_39 = arith.constant 0 : i32
          %dma_start3A_40 = tpu.memref_slice %arg10[%mul3A_34, %dma_start3A_39] : memref<10000x128xf32, #tpu.memory_space<vmem_shared>> -> memref<80x128xf32, #tpu.memory_space<vmem_shared>>
          tpu.enqueue_dma source(%dma_start3A_40 : memref<80x128xf32, #tpu.memory_space<vmem_shared>>) target(%dma_start3A_38 : memref<80x128xf32, #tpu.memory_space<hbm>>) target_semaphore(%run_scoped3A : memref<!tpu.dma_semaphore, #tpu.memory_space<semaphore_mem>>)
          %dma_wait3A = arith.constant 0 : i32
          %dma_wait3A_41 = tpu.memref_slice %arg6[%arg0, %mul3A_36, %dma_wait3A] : memref<2x10000x128xf32, #tpu.memory_space<hbm>> -> memref<1x80x128xf32, #tpu.memory_space<hbm>>
          %dma_wait3A_42 = tpu.memref_squeeze %dma_wait3A_41 : memref<1x80x128xf32, #tpu.memory_space<hbm>> -> memref<80x128xf32, #tpu.memory_space<hbm>>
          %dma_wait3A_43 = arith.constant 0 : i32
          %dma_wait3A_44 = tpu.memref_slice %arg10[%mul3A_34, %dma_wait3A_43] : memref<10000x128xf32, #tpu.memory_space<vmem_shared>> -> memref<80x128xf32, #tpu.memory_space<vmem_shared>>
          tpu.wait_dma2 semaphore(%run_scoped3A : memref<!tpu.dma_semaphore, #tpu.memory_space<semaphore_mem>>) src(%dma_wait3A_44 : memref<80x128xf32, #tpu.memory_space<vmem_shared>>) dst(%dma_wait3A_42 : memref<80x128xf32, #tpu.memory_space<hbm>>)
          tpu.yield
        }) : () -> ()
      } else {
      }
    }
    %scan3A_22 = arith.constant 8 : i32
    return
  }
}

module attributes {stable_mosaic.version = 14 : i64} {
  func.func @_combine_body(%arg0: i32, %arg1: memref<1000x128xf32, #tpu.memory_space<vmem>>, %arg2: memref<2x1000x128xf32, #tpu.memory_space<vmem>>, %arg3: memref<1000x128xf32, #tpu.memory_space<vmem>>) attributes {dimension_semantics = [#tpu.dimension_semantics<arbitrary>], iteration_bounds = array<i64: 10>, scalar_prefetch = 0 : i64, scratch_operands = 0 : i64, tpu.core_type = #tpu.core_type<tc>, window_params = [{transform_indices = @transform_0, window_bounds = array<i64: 1000, 128>}, {transform_indices = @transform_1, window_bounds = array<i64: 2, 1000, 128>}, {transform_indices = @transform_2, window_bounds = array<i64: 1000, 128>}]} {
    %get3A = arith.constant 0 : index
    %get3A_0 = arith.constant 0 : index
    %get3A_1 = vector.load %arg1[%get3A, %get3A_0] : memref<1000x128xf32, #tpu.memory_space<vmem>>, vector<1000x128xf32>
    %get3A_2 = arith.constant 0 : index
    %get3A_3 = arith.constant 0 : index
    %get3A_4 = arith.constant 0 : index
    %get3A_5 = vector.load %arg2[%get3A_2, %get3A_3, %get3A_4] : memref<2x1000x128xf32, #tpu.memory_space<vmem>>, vector<1x1000x128xf32>
    %get3A_6 = vector.shape_cast %get3A_5 : vector<1x1000x128xf32> to vector<1000x128xf32>
    %add3A = arith.addf %get3A_1, %get3A_6 : vector<1000x128xf32>
    %get3A_7 = arith.constant 1 : index
    %get3A_8 = arith.constant 0 : index
    %get3A_9 = arith.constant 0 : index
    %get3A_10 = vector.load %arg2[%get3A_7, %get3A_8, %get3A_9] : memref<2x1000x128xf32, #tpu.memory_space<vmem>>, vector<1x1000x128xf32>
    %get3A_11 = vector.shape_cast %get3A_10 : vector<1x1000x128xf32> to vector<1000x128xf32>
    %add3A_12 = arith.addf %add3A, %get3A_11 : vector<1000x128xf32>
    %max3A = arith.constant 0.000000e+00 : f32
    %max3A_13 = vector.broadcast %max3A : f32 to vector<1000x128xf32>
    %max3A_14 = arith.maximumf %add3A_12, %max3A_13 : vector<1000x128xf32>
    %swap3A = arith.constant 0 : index
    %swap3A_15 = arith.constant 0 : index
    %swap3A_16 = vector.load %arg3[%swap3A, %swap3A_15] : memref<1000x128xf32, #tpu.memory_space<vmem>>, vector<1000x128xf32>
    tpu.vector_store %arg3[%swap3A, %swap3A_15], %max3A_14 {strides = array<i32>} : memref<1000x128xf32, #tpu.memory_space<vmem>>, vector<1000x128xf32>,
    return
  }
  func.func @transform_0(%arg0: i32) -> (i32, i32) {
    %c0_i32 = arith.constant 0 : i32
    %c0_i32_0 = arith.constant 0 : i32
    return %arg0, %c0_i32 : i32, i32
  }
  func.func @transform_1(%arg0: i32) -> (i32, i32, i32) {
    %c0_i32 = arith.constant 0 : i32
    %c0_i32_0 = arith.constant 0 : i32
    %c0_i32_1 = arith.constant 0 : i32
    return %c0_i32, %arg0, %c0_i32_0 : i32, i32, i32
  }
  func.func @transform_2(%arg0: i32) -> (i32, i32) {
    %c0_i32 = arith.constant 0 : i32
    %c0_i32_0 = arith.constant 0 : i32
    return %arg0, %c0_i32 : i32, i32
  }
}

module attributes {stable_mosaic.version = 14 : i64} {
  func.func @_ab_body(%arg0: i32, %arg1: memref<1000x128xf32, #tpu.memory_space<vmem>>, %arg2: memref<128x128xf32, #tpu.memory_space<vmem>>, %arg3: memref<128x128xf32, #tpu.memory_space<vmem>>, %arg4: memref<1x128xf32, #tpu.memory_space<vmem>>, %arg5: memref<1000x128xf32, #tpu.memory_space<vmem>>, %arg6: memref<1000x128xf32, #tpu.memory_space<vmem>>) attributes {dimension_semantics = [#tpu.dimension_semantics<arbitrary>], iteration_bounds = array<i64: 10>, scalar_prefetch = 0 : i64, scratch_operands = 0 : i64, tpu.core_type = #tpu.core_type<tc>, window_params = [{transform_indices = @transform_0, window_bounds = array<i64: 1000, 128>}, {pipeline_mode = #tpu.pipeline_mode<synchronous>, transform_indices = @transform_1, window_bounds = array<i64: 128, 128>}, {pipeline_mode = #tpu.pipeline_mode<synchronous>, transform_indices = @transform_2, window_bounds = array<i64: 128, 128>}, {pipeline_mode = #tpu.pipeline_mode<synchronous>, transform_indices = @transform_3, window_bounds = array<i64: 1, 128>}, {transform_indices = @transform_4, window_bounds = array<i64: 1000, 128>}, {transform_indices = @transform_5, window_bounds = array<i64: 1000, 128>}]} {
    %get3A = arith.constant 0 : index
    %get3A_0 = arith.constant 0 : index
    %get3A_1 = vector.load %arg1[%get3A, %get3A_0] : memref<1000x128xf32, #tpu.memory_space<vmem>>, vector<1000x128xf32>
    %get3A_2 = arith.constant 0 : index
    %get3A_3 = arith.constant 0 : index
    %get3A_4 = vector.load %arg3[%get3A_2, %get3A_3] : memref<128x128xf32, #tpu.memory_space<vmem>>, vector<128x128xf32>
    %get3A_5 = arith.constant 0 : index
    %get3A_6 = arith.constant 0 : index
    %get3A_7 = vector.load %arg2[%get3A_5, %get3A_6] : memref<128x128xf32, #tpu.memory_space<vmem>>, vector<128x128xf32>
    %sub3A = arith.subf %get3A_7, %get3A_4 : vector<128x128xf32>
    %dot_general3A = arith.constant dense<0.000000e+00> : vector<1000x128xf32>
    %dot_general3A_8 = tpu.matmul %get3A_1, %sub3A, %dot_general3A {dimension_numbers = #tpu.dot_dimension_numbers<[1], [0], [0], [1], [0, 0, 1, 1], [], []>, transpose_lhs_hint = false} : vector<1000x128xf32>, vector<128x128xf32>, vector<1000x128xf32> -> vector<1000x128xf32>
    %get3A_9 = arith.constant 0 : index
    %get3A_10 = arith.constant 0 : index
    %get3A_11 = vector.load %arg4[%get3A_9, %get3A_10] : memref<1x128xf32, #tpu.memory_space<vmem>>, vector<1x128xf32>
    %add3A = vector.broadcast %get3A_11 : vector<1x128xf32> to vector<1000x128xf32>
    %add3A_12 = arith.addf %dot_general3A_8, %add3A : vector<1000x128xf32>
    %swap3A = arith.constant 0 : index
    %swap3A_13 = arith.constant 0 : index
    %swap3A_14 = vector.load %arg5[%swap3A, %swap3A_13] : memref<1000x128xf32, #tpu.memory_space<vmem>>, vector<1000x128xf32>
    tpu.vector_store %arg5[%swap3A, %swap3A_13], %add3A_12 {strides = array<i32>} : memref<1000x128xf32, #tpu.memory_space<vmem>>, vector<1000x128xf32>,
    %dot_general3A_15 = arith.constant dense<0.000000e+00> : vector<1000x128xf32>
    %dot_general3A_16 = tpu.matmul %get3A_1, %get3A_4, %dot_general3A_15 {dimension_numbers = #tpu.dot_dimension_numbers<[1], [0], [0], [1], [0, 0, 1, 1], [], []>, transpose_lhs_hint = false} : vector<1000x128xf32>, vector<128x128xf32>, vector<1000x128xf32> -> vector<1000x128xf32>
    %swap3A_17 = arith.constant 0 : index
    %swap3A_18 = arith.constant 0 : index
    %swap3A_19 = vector.load %arg6[%swap3A_17, %swap3A_18] : memref<1000x128xf32, #tpu.memory_space<vmem>>, vector<1000x128xf32>
    tpu.vector_store %arg6[%swap3A_17, %swap3A_18], %dot_general3A_16 {strides = array<i32>} : memref<1000x128xf32, #tpu.memory_space<vmem>>, vector<1000x128xf32>,
    return
  }
  func.func @transform_0(%arg0: i32) -> (i32, i32) {
    %c0_i32 = arith.constant 0 : i32
    %c0_i32_0 = arith.constant 0 : i32
    return %arg0, %c0_i32 : i32, i32
  }
  func.func @transform_1(%arg0: i32) -> (i32, i32) {
    %c0_i32 = arith.constant 0 : i32
    %c0_i32_0 = arith.constant 0 : i32
    %c0_i32_1 = arith.constant 0 : i32
    return %c0_i32, %c0_i32_0 : i32, i32
  }
  func.func @transform_2(%arg0: i32) -> (i32, i32) {
    %c0_i32 = arith.constant 0 : i32
    %c0_i32_0 = arith.constant 0 : i32
    %c0_i32_1 = arith.constant 0 : i32
    return %c0_i32, %c0_i32_0 : i32, i32
  }
  func.func @transform_3(%arg0: i32) -> (i32, i32) {
    %c0_i32 = arith.constant 0 : i32
    %c0_i32_0 = arith.constant 0 : i32
    %c0_i32_1 = arith.constant 0 : i32
    return %c0_i32, %c0_i32_0 : i32, i32
  }
  func.func @transform_4(%arg0: i32) -> (i32, i32) {
    %c0_i32 = arith.constant 0 : i32
    %c0_i32_0 = arith.constant 0 : i32
    return %arg0, %c0_i32 : i32, i32
  }
  func.func @transform_5(%arg0: i32) -> (i32, i32) {
    %c0_i32 = arith.constant 0 : i32
    %c0_i32_0 = arith.constant 0 : i32
    return %arg0, %c0_i32 : i32, i32
  }
}

</mosaic_0001>

<sc_bundles>
// kernel: kernel.5.cloned.1.call-start
scs
__scs_entry_jumppad:
0x0: {  	(pc) =	sbr.rel $0x88, $3  }
0x1: {  	(tag) =	ssettag $0x0;
	lr =	simm.s32 $0x1  }
0x2: {  	[smem:$0x3F9C] =	sst lr;
	_ =	strace $0xD0000000  }
0x3: {  	_ = 	snop  }
0x4: {  	_ = 	snop  }
0x5: {  	_ = 	snop  }
0x6: {  	_ = 	snop  }
0x7: {  	_ = 	snop  }
__scs_overlays_trampoline_lowered:
0x8: {  	[smem:$0x3FAB] =	sst s0  }
0x9: {  	[smem:$0x3FAC] =	sst s1  }
0xa: {  	[smem:$0x3FAD] =	sst s2  }
0xb: {  	[smem:$0x3FAE] =	sst s3  }
0xc: {  	[smem:$0x3FAF] =	sst s4  }
0xd: {  	[smem:$0x3FB0] =	sst s5  }
0xe: {  	[smem:$0x3FB1] =	sst s6  }
0xf: {  	[smem:$0x3FB2] =	sst s7  }
0x10: {  	[smem:$0x3FB3] =	sst s8  }
0x11: {  	[smem:$0x3FB4] =	sst s9;
	s0 =	simm.s32 @!p0 $0x0  }
0x12: {  	s1 =	sld [smem:$0x3F9A];
	s0 =	simm.s32 @p0 $0x1  }
0x13: {  	[smem:$0x3FB5] =	sst s0;
	s0 =	simm.s32 @!p1 $0x0  }
0x14: {  	s2 =	sld [smem:$0x3F99];
	s0 =	simm.s32 @p1 $0x1  }
0x15: {  	[smem:$0x3FB6] =	sst s0;
	s0 =	simm.s32 @!p2 $0x0  }
0x16: {  	s3 =	sld [smem:$0x3FDB];
	s0 =	simm.s32 @p2 $0x1  }
0x17: {  	s4 =	simm.s32 $0x1BF5;
	[smem:$0x3FB8] =	sst s0  }
0x18: {  	s0 =	sld [smem:$0x3F9B];
	_ =	swait.ge [sflag:s4], $0x0  }
0x19: {  	s7 =	sld [smem:$0x3F9C]  }
0x1a: {  	s8 =	sadd.s32 $0xFFFFE003, lr  }
0x1b: {  	s9 =	sadd.s32 $0xFFFFFEF7, lr;
	s5 =	simm.s32 $0xFFFFFFFF;
	p2 =	slt.u32 s8, $0xFFFFF086  }
0x1c: {  	p1 =	slt.u32 s9, $0xF7A;
	s5 =	simm.s32 @!p2 $0x0  }
0x1d: {  	s5 =	simm.s32 @p1 $0x1;
	p0 =	seq.s32 s7, s2  }
0x1e: {  	s7 =	smul.u32 @!p0 $0xF7A, s2;
	p2 =	seq.s32 @!p0 s5, $0x0  }
0x1f: {  	s9 =	smul.u32 $0xF7A, s1;
	s8 =	simm.s32 @!p0 $0x1BF5;
	p2 =	por !p2, p0  }
0x20: {  	[sflag:s8] =	ssyncset.s32 @!p0 $0xFFFFF086;
	s6 =	sadd.s32 @!p0 s3, s7;
	s7 =	simm.s32 @!p0 $0x108  }
0x21: {  	s3 =	sadd.s32 s3, s9;
	s6 =	sadd.s32 @!p0 $0x88, s6;
	s7 =	simm.s32 @p2 $0x1082  }
0x22: {  	[simem:s7], [sflag:s8] =	dma.local @!p0 [hbm:s6], $0xF7A  }
0x23: {  	s9 =	sor.u32 $0xD0000000, s2;
	s6 =	simm.s32 $0x108;
	_ =	swait.ge @!p0 [sflag:s8], $0x0  }
0x24: {  	s3 =	sadd.s32 $0x88, s3;
	s6 =	simm.s32 @!p1 $0x1082;
	[sflag:s4] =	ssyncset.s32 $0xFFFFF086  }
0x25: {  	[simem:s6], [sflag:s4] =	dma.local [hbm:s3], $0xF7A  }
0x26: {  	[smem:$0x3F9C] =	sst s1;
	(tag) =	ssettag s2;
	_ =	strace s9  }
0x27: {  	s1 =	sld [smem:$0x3FAC]  }
0x28: {  	s2 =	sld [smem:$0x3FAD]  }
0x29: {  	s4 =	sld [smem:$0x3FAF]  }
0x2a: {  	p0 =	seq.s32 s5, $0x0;
	s5 =	sld [smem:$0x3FB0]  }
0x2b: {  	s6 =	sld [smem:$0x3FB1]  }
0x2c: {  	s7 =	sld [smem:$0x3FB2]  }
0x2d: {  	s3 =	simm.s32 $0x108;
	s8 =	sld [smem:$0x3FB3]  }
0x2e: {  	s3 =	simm.s32 @!p0 $0x1082;
	s9 =	sld [smem:$0x3FB4]  }
0x2f: {  	lr =	sadd.s32 s0, s3;
	s0 =	sld [smem:$0x3FAB]  }
0x30: {  	s3 =	sld [smem:$0x3FAE]  }
0x31: {  	[smem:$0x3FB7] =	sst s10  }
0x32: {  	s10 =	sld [smem:$0x3FB5];
	_ =	sdelay $0x3  }
0x33: {  	p0 =	seq.s32 s10, $0x1;
	s10 =	sld [smem:$0x3FB7];
	_ =	sdelay $0x3  }
0x34: {  	[smem:$0x3FB7] =	sst s10  }
0x35: {  	s10 =	sld [smem:$0x3FB6];
	_ =	sdelay $0x3  }
0x36: {  	p1 =	seq.s32 s10, $0x1;
	s10 =	sld [smem:$0x3FB7];
	_ =	sdelay $0x3  }
0x37: {  	[smem:$0x3FB7] =	sst s10  }
0x38: {  	s10 =	sld [smem:$0x3FB8]  }
0x39: {  	_ = 	snop;
	(pc) =	sbr.ind lr, $3  }
0x3a: {  	_ = 	snop  }
0x3b: {  	_ = 	snop  }
0x3c: {  	p2 =	seq.s32 s10, $0x1;
	s10 =	sld [smem:$0x3FB7]  }
0x3d: {  	_ =	shalt  }
0x3e: {  	_ =	shalt  }
0x3f: {  	_ =	shalt  }
0x40: {  	_ =	shalt  }
0x41: {  	_ =	shalt  }
0x42: {  	_ =	shalt  }
0x43: {  	_ =	shalt  }
0x44: {  	_ =	shalt  }
0x45: {  	_ =	shalt  }
0x46: {  	_ =	shalt  }
0x47: {  	_ =	shalt  }
0x48: {  	_ =	shalt  }
0x49: {  	_ =	shalt  }
0x4a: {  	_ =	shalt  }
0x4b: {  	_ =	shalt  }
0x4c: {  	_ =	shalt  }
0x4d: {  	_ =	shalt  }
0x4e: {  	_ =	shalt  }
0x4f: {  	_ =	shalt  }
0x50: {  	_ =	shalt  }
0x51: {  	_ =	shalt  }
0x52: {  	_ =	shalt  }
0x53: {  	_ =	shalt  }
0x54: {  	_ =	shalt  }
0x55: {  	_ =	shalt  }
0x56: {  	_ =	shalt  }
0x57: {  	_ =	shalt  }
0x58: {  	_ =	shalt  }
0x59: {  	_ =	shalt  }
0x5a: {  	_ =	shalt  }
0x5b: {  	_ =	shalt  }
0x5c: {  	_ =	shalt  }
0x5d: {  	_ =	shalt  }
0x5e: {  	_ =	shalt  }
0x5f: {  	_ =	shalt  }
0x60: {  	_ =	shalt  }
0x61: {  	_ =	shalt  }
0x62: {  	_ =	shalt  }
0x63: {  	_ =	shalt  }
0x64: {  	_ =	shalt  }
0x65: {  	_ =	shalt  }
0x66: {  	_ =	shalt  }
0x67: {  	_ =	shalt  }
0x68: {  	_ =	shalt  }
0x69: {  	_ =	shalt  }
0x6a: {  	_ =	shalt  }
0x6b: {  	_ =	shalt  }
0x6c: {  	_ =	shalt  }
0x6d: {  	_ =	shalt  }
0x6e: {  	_ =	shalt  }
0x6f: {  	_ =	shalt  }
0x70: {  	_ =	shalt  }
0x71: {  	_ =	shalt  }
0x72: {  	_ =	shalt  }
0x73: {  	_ =	shalt  }
0x74: {  	_ =	shalt  }
0x75: {  	_ =	shalt  }
0x76: {  	_ =	shalt  }
0x77: {  	_ =	shalt  }
0x78: {  	_ =	shalt  }
0x79: {  	_ =	shalt  }
0x7a: {  	_ =	shalt  }
0x7b: {  	_ =	shalt  }
0x7c: {  	_ =	shalt  }
0x7d: {  	_ =	shalt  }
0x7e: {  	_ =	shalt  }
0x7f: {  	_ =	shalt  }
0x80: {  	_ =	shalt  }
0x81: {  	_ =	shalt  }
0x82: {  	_ =	shalt  }
0x83: {  	_ =	shalt  }
0x84: {  	_ =	shalt  }
0x85: {  	_ =	shalt  }
0x86: {  	_ =	shalt  }
0x87: {  	_ =	shalt  }
.Lfunc_end0:
.L_simem_size_0:
called_computation_lowered:
.L_overlay_start_0:
0x88: {  	s2 =	sld [smem:$0x3FD9]  }
0x89: {  	s3 =	sld [smem:$0x3FFE];
	_ =	sdelay $0x1  }
0x8a: {  	s1 =	srdreg.scid  }
0x8b: {  	s0 =	sand.u32 $0x1, s1  }
0x8c: {  	s17 =	sshll.u32 s0, $0xA;
	s2 =	sadd.s32 s3, s2  }
0x8d: {  	s2 =	sadd.s32 s2, s17  }
0x8e: {  	[smem:$0x3FC3] =	sst s2  }
0x8f: {  	_ = 	snop  }
0x90: {  	s2 =	sld [smem:$0x3FC8]  }
0x91: {  	s18 =	sld [smem:$0x3FC7]  }
0x92: {  	s4 =	sld [smem:$0x3FD0];
	(tm) =	ssettm $0x1  }
0x93: {  	s5 =	sld [smem:$0x3FFB];
	_ =	sdelay $0x3  }
0x94: {  	_ =	strace s5  }
0x95: {  	s5 =	sld [smem:$0x3FFC];
	_ =	sdelay $0x3  }
0x96: {  	_ =	strace s5  }
0x97: {  	s5 =	sld [smem:$0x3FFD];
	_ =	sdelay $0x3  }
0x98: {  	_ =	strace s5  }
0x99: {  	_ =	strace $0x8FFFFFFF  }
0x9a: {  	s19 =	sld [smem:$0x3FDB];
	_ =	sdelay $0x1  }
0x9b: {  	s6 =	simm.s32 $_scs_section_size  }
0x9c: {  	s7 =	simm.s32 $_size__tile_overlayer_lowered;
	s8 =	simm.s32 $_tile_overlayer_lowered  }
0x9d: {  	s22 =	simm.s32 $0x1BFF;
	s21 =	sshll.u32 s8, $0x1;
	s5 =	sadd.s32 s6, s19  }
0x9e: {  	s9 =	simm.s32 $0x0;
	s20 =	sshll.u32 s7, $0x1;
	s7 =	sadd.s32 s21, s5  }
0x9f: {  	[timem:s9], [sflag:s22] =	dma.local [hbm:s7], s20  }
0xa0: {  	_ =	swait.ge [sflag:s22], s20  }
0xa1: {  	s6 =	ssub.s32 $0x0, s20;
	[sflag:s22] =	ssyncset.done $0x0  }
0xa2: {  	[sflag:s22] =	ssyncadd.s32 s6;
	_ =	sdelay $0x1  }
0xa3: {  	s23 =	simm.s32 $0x1B8B  }
0xa4: {  	_ =	swait.ge [sflag:s23], $0x1  }
0xa5: {  	[sflag:s23] =	ssyncset.done $0x0  }
0xa6: {  	s25 =	simm.s32 $0x1B8E;
	s24 =	sld [smem:$0x3FFE];
	[sflag:s23] =	ssyncadd.s32 $0xFFFFFFFF  }
0xa7: {  	s26 =	simm.s32 $execute0_lowered;
	[smem:$0x3FD2] =	sst s25  }
0xa8: {  	s7 =	sshll.u32 s26, $0x1;
	_ =	strace $0x80000046;
	[dreg:$0x1] =	wrdreg $0xFFFFFFFF  }
0xa9: {  	s28 =	simm.s32 $_size_execute0_lowered;
	s5 =	sadd.s32 s5, s7;
	[dreg:$0x0] =	wrdreg $0x0  }
0xaa: {  	s7 =	sshll.u32 s28, $0x1;
	[dreg:$0x2] =	wrdreg s5  }
0xab: {  	[dreg:$0x3] =	wrdreg s7  }
0xac: {  	[dreg:$0x4] =	wrdreg $0xC0  }
0xad: {  	_ =	task [dreg:s9], $0x5FFFF  }
0xae: {  	[dreg:$0x1] =	wrdreg $0xFFFFFFFF  }
0xaf: {  	[dreg:$0x0] =	wrdreg $0x60  }
0xb0: {  	[dreg:$0x2] =	wrdreg s4  }
0xb1: {  	[dreg:$0x3] =	wrdreg s24  }
0xb2: {  	[dreg:$0x4] =	wrdreg s2  }
0xb3: {  	[dreg:$0x5] =	wrdreg s18  }
0xb4: {  	[dreg:$0x6] =	wrdreg $0x29000  }
0xb5: {  	[dreg:$0x7] =	wrdreg $0x9  }
0xb6: {  	_ =	task.clear_ibuf [dreg:s9], $0x8FFFF;
	_ =	strace $0x90000046  }
0xb7: {  	s29 =	simm.s32 $0x9;
	_ =	strace $0x80000048  }
0xb8: {  	_ =	swait.ge [sflag:s29], $0x1  }
0xb9: {  	[sflag:s29] =	ssyncadd.s32 $0xFFFFFFFF  }
0xba: {  	_ =	strace $0x90000048  }
0xbb: {  	_ =	sfence  }
0xbc: {  	s30 =	sld [smem:$0x0];
	_ =	sdelay $0x2  }
0xbd: {  	s31 =	sshll.u32 s1, $0xD;
	s1 =	sshrl.u32 s1, $0x2  }
0xbe: {  	s3 =	sand.u32 $0x4000, s31;
	s1 =	sadd.s32 s1, s30  }
0xbf: {  	s0 =	sor.u32 s3, s0;
	s1 =	sshll.u32 s1, $0x11  }
0xc0: {  	s0 =	sor.u32 s1, s0  }
0xc1: {  	s0 =	sadd.s32 $0x8F2B, s0  }
0xc2: {  	[sflag:s0] =	ssyncadd.remote.s32 $0x1  }
0xc3: {  	_ =	sfence.sel $0xFFFF  }
0xc4: {  	[dreg:$0x0] =	wrdreg $0xFFFFFFFF;
	(pc) =	sbr.abs _section_cstart, $3  }
0xc5: {  	[dreg:$0x1] =	wrdreg $0xFFFFFFFF  }
0xc6: {  	_ =	task.clear_ibuf [dreg:s9], $0x2FFFF;
	_ =	strace $0x9FFFFFFF  }
0xc7: {  	(tm) =	ssettm $0x7FFFFFFF  }
tec
execute0_lowered:
.L_overlay_start_1:
0x0: {  	(tag) =	ssettag $0x1  }
0x1: {  	s0 =	srdreg.scid;
	s24 =	stileid.u32  }
0x2: {  	s1 =	rddreg [dreg:$0x0];
	s0 =	sand.u32 $0x1, s0;
	s10 =	smul.u32 $0x2800, s24  }
0x3: {  	s3 =	rddreg [dreg:$0x1];
	s9 =	sor.u32 $0x10, s24;
	s8 =	smul.u32 $0x138800, s0  }
0x4: {  	s5 =	rddreg [dreg:$0x3];
	s16 =	sor.u32 $0x20, s24;
	s11 =	smul.u32 $0x2800, s9  }
0x5: {  	s6 =	rddreg [dreg:$0x4];
	s18 =	sor.u32 $0x30, s24;
	s12 =	smul.u32 $0x2800, s16  }
0x6: {  	s7 =	simm.s32 $0x0;
	s19 =	sor.u32 $0x40, s24;
	s13 =	smul.u32 $0x2800, s18  }
0x7: {  	s28 =	simm.s32 $0x2;
	s20 =	sor.u32 $0x50, s24;
	s14 =	smul.u32 $0x2800, s19  }
0x8: {  	s29 =	simm.s32 $0x80;
	s21 =	sor.u32 $0x60, s24;
	s17 =	smul.u32 $0x2800, s20  }
0x9: {  	s30 =	simm.s32 $0x50;
	s22 =	sor.u32 $0x70, s24;
	s26 =	smul.u32 $0x2800, s21  }
0xa: {  	s31 =	simm.s32 $0x1;
	[smem:$0x7FF] =	sst s7;
	s23 =	smul.u32 $0x2800, s22  }
0xb: {  	s2 =	sshll.u32 s0, $0x4;
	s0 =	ssub.s32 $0x2, s0;
	s9 =	smul.u32 $0xA000, s9  }
0xc: {  	p0 =	sgt.u32 s22, $0x7C;
	s4 =	sor.u32 s24, s2;
	s15 =	sshrl.u32 s0, $0x1  }
0xd: {  	s2 =	rddreg [dreg:$0x2];
	s4 =	smul.u32 $0x2710, s4;
	s0 =	ssub.s32 s0, s15  }
0xe: {  	s10 =	sadd.s32 s8, s10;
	s11 =	sadd.s32 s8, s11;
	s12 =	sadd.s32 s8, s12  }
0xf: {  	s13 =	sadd.s32 s8, s13;
	s14 =	sadd.s32 s8, s14;
	s17 =	sadd.s32 s8, s17  }
0x10: {  	s15 =	sadd.s32 s8, s26;
	s8 =	sadd.s32 s8, s23;
	s23 =	sadd.s32 $0x28400, s3  }
0x11: {  	s9 =	sshrl.u32 s9, $0x2;
	s10 =	sshrl.u32 s10, $0x3;
	s25 =	sshrl.u32 s11, $0x3  }
0x12: {  	s26 =	sshrl.u32 s12, $0x3;
	s12 =	sshrl.u32 s13, $0x3;
	s13 =	sshrl.u32 s14, $0x3  }
0x13: {  	s14 =	sshrl.u32 s17, $0x3;
	s17 =	sshrl.u32 s15, $0x3;
	s8 =	sshrl.u32 s8, $0x3  }
0x14: {  	s10 =	sadd.s32 s23, s10;
	s11 =	sadd.s32 s23, s26;
	s26 =	smul.u32 $0xA000, s16  }
0x15: {  	[dreg:$0x6] =	wrdreg s10;
	s10 =	sadd.s32 s23, s25;
	s25 =	smul.u32 $0xA000, s24  }
0x16: {  	s15 =	sadd.s32 s23, s8;
	[dreg:$0x8] =	wrdreg s11;
	s11 =	smul.u32 $0xA000, s18  }
0x17: {  	s16 =	sadd.s32 $0x1200, s3;
	s3 =	simm.s32 $0x0;
	s24 =	smul.u32 $0xA000, s19  }
0x18: {  	s19 =	sadd.s32 s9, s6;
	[dreg:$0x7] =	wrdreg s10;
	s10 =	sadd.s32 s23, s12  }
0x19: {  	s12 =	sadd.s32 s23, s13;
	s13 =	sadd.s32 s23, s14;
	s14 =	sadd.s32 s23, s17  }
0x1a: {  	s17 =	smax.u32 s0, $0x1;
	s8 =	sshrl.u32 s26, $0x2;
	s26 =	smul.u32 $0xA000, s21  }
0x1b: {  	[dreg:$0x9] =	wrdreg s10;
	s23 =	sshrl.u32 s25, $0x2;
	s25 =	smul.u32 $0xA000, s20  }
0x1c: {  	s0 =	sshrl.u32 s11, $0x2;
	s10 =	sshrl.u32 s24, $0x2;
	s11 =	smul.u32 $0xA000, s22  }
0x1d: {  	s20 =	sadd.s32 s8, s6;
	_ =	strace $0x80000047;
	s18 =	sadd.s32 s23, s6  }
0x1e: {  	s21 =	sadd.s32 s0, s6;
	s22 =	sadd.s32 s10, s6;
	s24 =	sshrl.u32 s25, $0x2  }
0x1f: {  	s25 =	sshrl.u32 s26, $0x2;
	s26 =	sshrl.u32 s11, $0x2;
	s23 =	sadd.s32 s24, s6  }
0x20: {  	v0 =	vimm.f32 $0.0e+00;
	s24 =	sadd.s32 s25, s6;
	s25 =	sadd.s32 s26, s6;
	s26 =	simm.s32 $0x100  }
.LBB2_1:
0x21: {  	s0 =	simm.s32 $0x0;
	s8 =	simm.s32 $0x200  }
.LBB2_2:
0x22: {  	p1 =	sne.s32 s8, $0x9E00;
	[tilespmem:s0+$0x170] =	vst v0  }
0x23: {  	[tilespmem:s0+$0x100] =	vst v0  }
0x24: {  	[tilespmem:s0+$0x110] =	vst v0  }
.Ltmp0:
0x25: {  	[tilespmem:s0+$0x120] =	vst v0;
	(pc) =	sbr.rel @p1 .LBB2_2-.Ltmp0, $4  }
0x26: {  	[tilespmem:s0+$0x130] =	vst v0  }
0x27: {  	[tilespmem:s0+$0x140] =	vst v0  }
0x28: {  	[tilespmem:s0+$0x150] =	vst v0  }
0x29: {  	[tilespmem:s0+$0x160] =	vst v0;
	s0 =	sshra.s32 s8, $0x2;
	s8 =	sadd.s32 $0x200, s8  }
0x2a: {  	[tilespmem:s0+$0x170] =	vst v0  }
0x2b: {  	[tilespmem:s0+$0x100] =	vst v0  }
0x2c: {  	[tilespmem:s0+$0x110] =	vst v0  }
0x2d: {  	[tilespmem:s0+$0x120] =	vst v0  }
0x2e: {  	[tilespmem:s0+$0x130] =	vst v0  }
0x2f: {  	[tilespmem:s0+$0x140] =	vst v0  }
0x30: {  	[tilespmem:s0+$0x150] =	vst v0  }
0x31: {  	[tilespmem:s0+$0x160] =	vst v0  }
0x32: {  	[spmem:s18] =	stream.linear.scatter [tilespmem:s26], [sflag:$0x2], $0x2800, $0x38;
	[tilespmem:$0x16180] =	vst v63  }
0x33: {  	_ =	swait.ge [sflag:s28], $0x2800  }
0x34: {  	[sflag:s28] =	ssyncset.done $0x0  }
0x35: {  	[sflag:s28] =	ssyncadd.s32 $0xFFFFD800  }
0x36: {  	[spmem:s19] =	stream.linear.scatter [tilespmem:s26], [sflag:$0x2], $0x2800, $0x38;
	[tilespmem:$0x16180] =	vst v63  }
0x37: {  	_ =	swait.ge [sflag:s28], $0x2800  }
0x38: {  	[sflag:s28] =	ssyncset.done $0x0  }
0x39: {  	[sflag:s28] =	ssyncadd.s32 $0xFFFFD800  }
0x3a: {  	[spmem:s20] =	stream.linear.scatter [tilespmem:s26], [sflag:$0x2], $0x2800, $0x38;
	[tilespmem:$0x16180] =	vst v63  }
0x3b: {  	_ =	swait.ge [sflag:s28], $0x2800  }
0x3c: {  	[sflag:s28] =	ssyncset.done $0x0  }
0x3d: {  	[sflag:s28] =	ssyncadd.s32 $0xFFFFD800  }
0x3e: {  	[spmem:s21] =	stream.linear.scatter [tilespmem:s26], [sflag:$0x2], $0x2800, $0x38;
	[tilespmem:$0x16180] =	vst v63  }
0x3f: {  	_ =	swait.ge [sflag:s28], $0x2800  }
0x40: {  	[sflag:s28] =	ssyncset.done $0x0  }
0x41: {  	[sflag:s28] =	ssyncadd.s32 $0xFFFFD800  }
0x42: {  	[spmem:s22] =	stream.linear.scatter [tilespmem:s26], [sflag:$0x2], $0x2800, $0x38;
	[tilespmem:$0x16180] =	vst v63  }
0x43: {  	_ =	swait.ge [sflag:s28], $0x2800  }
0x44: {  	[sflag:s28] =	ssyncset.done $0x0  }
0x45: {  	[sflag:s28] =	ssyncadd.s32 $0xFFFFD800  }
0x46: {  	[spmem:s23] =	stream.linear.scatter [tilespmem:s26], [sflag:$0x2], $0x2800, $0x38;
	[tilespmem:$0x16180] =	vst v63  }
0x47: {  	_ =	swait.ge [sflag:s28], $0x2800  }
0x48: {  	[sflag:s28] =	ssyncset.done $0x0  }
0x49: {  	[sflag:s28] =	ssyncadd.s32 $0xFFFFD800  }
0x4a: {  	[spmem:s24] =	stream.linear.scatter [tilespmem:s26], [sflag:$0x2], $0x2800, $0x38;
	[tilespmem:$0x16180] =	vst v63  }
0x4b: {  	_ =	swait.ge [sflag:s28], $0x2800  }
0x4c: {  	[sflag:s28] =	ssyncset.done $0x0  }
0x4d: {  	s0 =	simm.s32 @!p0 $0x100;
	[sflag:s28] =	ssyncadd.s32 $0xFFFFD800  }
0x4e: {  	[spmem:s25] =	stream.linear.scatter @!p0 [tilespmem:s0], [sflag:$0x2], $0x2800, $0x38;
	[tilespmem:$0x16180] =	vst v63  }
0x4f: {  	s0 =	simm.s32 @!p0 $0x2  }
0x50: {  	_ =	swait.ge @!p0 [sflag:s0], $0x2800  }
0x51: {  	[sflag:s0] =	ssyncset.done @!p0 $0x0  }
0x52: {  	[sflag:s0] =	ssyncadd.s32 @!p0 $0xFFFFD800  }
0x53: {  	s8 =	simm.s32 $0x0;
	s0 =	simm.s32 $0x0;
	[bflag:$0x0] =	sbarrier.arrive $0xFFFF  }
.LBB2_4:
0x54: {  	s9 =	smul.u32 $0x50, s8;
	_ =	sdelay $0x1  }
0x55: {  	s9 =	sadd.s32 s4, s9  }
0x56: {  	s9 =	sshrl.u32 s9, $0x3  }
0x57: {  	s10 =	sadd.s32 s2, s9  }
0x58: {  	[tilespmem:s0], [sflag:$0x2] =	stream.linear.gather [hbm4b:s10+s0], $0x50, $0x38;
	[tilespmem:$0x16180] =	vst v63  }
0x59: {  	_ =	swait.ge [sflag:s28], $0x50  }
0x5a: {  	[sflag:s28] =	ssyncset.done $0x0  }
0x5b: {  	s9 =	sadd.s32 s5, s9;
	[sflag:s28] =	ssyncadd.s32 $0xFFFFFFB0  }
0x5c: {  	[tilespmem:s29], [sflag:$0x2] =	stream.linear.gather [hbm4b:s9+s0], $0x50, $0x38;
	[tilespmem:$0x16180] =	vst v63  }
0x5d: {  	_ =	swait.ge [sflag:s28], $0x50  }
0x5e: {  	[sflag:s28] =	ssyncset.done $0x0  }
0x5f: {  	[sflag:s28] =	ssyncadd.s32 $0xFFFFFFB0  }
0x60: {  	[tilespmem:s26], [sflag:$0x1] =	stream.indirect.gather [hbm4b:s1+s30], $0x80, s0, s30, $0xb8;
	[tilespmem:$0x16180] =	vst v63  }
0x61: {  	_ =	swait.ge [sflag:s31], $0x2800  }
0x62: {  	[sflag:s31] =	ssyncset.done $0x0  }
0x63: {  	[sflag:s31] =	ssyncadd.s32 $0xFFFFD800  }
0x64: {  	[tilespmem:s26], [sflag:$0x1] =	stream.indirect.gather.add.f32 [hbm:s16], $0x80, s29, s30, $0xb8;
	[tilespmem:$0x16180] =	vst v63  }
0x65: {  	_ =	swait.ge [sflag:s31], $0x2800  }
0x66: {  	[sflag:s31] =	ssyncset.done $0x0  }
0x67: {  	s9 =	simm.s32 $0x0;
	[sflag:s31] =	ssyncadd.s32 $0xFFFFD800  }
0x68: {  	v3 =	vld [tilespmem:s9+$0x100]  }
0x69: {  	v5 =	vld [tilespmem:s9+$0x110]  }
0x6a: {  	v4 =	vld [tilespmem:s9+$0x120]  }
0x6b: {  	v2 =	vld [tilespmem:s9+$0x130]  }
0x6c: {  	v1 =	vld [tilespmem:s9+$0x140]  }
0x6d: {  	v6 =	vmax.f32 v3, $0.0e+00;
	v3 =	vld [tilespmem:s9+$0x150]  }
0x6e: {  	s10 =	simm.s32 $0x200;
	[tilespmem:s9+$0x100] =	vst v6;
	v6 =	vmax.f32 v5, $0.0e+00;
	v5 =	vld [tilespmem:s9+$0x160]  }
.LBB2_5:
0x6f: {  	s11 =	sshra.s32 s10, $0x2;
	p1 =	sne.s32 s10, $0x9E00;
	[tilespmem:s9+$0x110] =	vst v6;
	v4 =	vmax.f32 v4, $0.0e+00;
	v6 =	vld [tilespmem:s9+$0x170]  }
0x70: {  	v7 =	vld [tilespmem:s11+$0x100];
	[tilespmem:s9+$0x120] =	vst v4;
	v2 =	vmax.f32 v2, $0.0e+00  }
0x71: {  	v8 =	vld [tilespmem:s11+$0x110];
	[tilespmem:s9+$0x130] =	vst v2;
	v1 =	vmax.f32 v1, $0.0e+00  }
.Ltmp1:
0x72: {  	v4 =	vld [tilespmem:s11+$0x120];
	[tilespmem:s9+$0x140] =	vst v1;
	v1 =	vmax.f32 v3, $0.0e+00;
	(pc) =	sbr.rel @p1 .LBB2_5-.Ltmp1, $4  }
0x73: {  	v2 =	vld [tilespmem:s11+$0x130];
	[tilespmem:s9+$0x150] =	vst v1;
	v3 =	vmax.f32 v5, $0.0e+00  }
0x74: {  	v1 =	vld [tilespmem:s11+$0x140];
	[tilespmem:s9+$0x160] =	vst v3;
	v5 =	vmax.f32 v6, $0.0e+00  }
0x75: {  	v6 =	vmax.f32 v7, $0.0e+00;
	v3 =	vld [tilespmem:s11+$0x150];
	[tilespmem:s9+$0x170] =	vst v5;
	s9 =	smov.u32 s11  }
0x76: {  	s10 =	sadd.s32 $0x200, s10;
	[tilespmem:s9+$0x100] =	vst v6;
	v6 =	vmax.f32 v8, $0.0e+00;
	v5 =	vld [tilespmem:s9+$0x160]  }
0x77: {  	[tilespmem:s9+$0x110] =	vst v6;
	v4 =	vmax.f32 v4, $0.0e+00;
	v63 =	vld [tilespmem:s9+$0x170]  }
0x78: {  	[tilespmem:s9+$0x120] =	vst v4;
	v2 =	vmax.f32 v2, $0.0e+00  }
0x79: {  	[tilespmem:s9+$0x130] =	vst v2;
	v1 =	vmax.f32 v1, $0.0e+00  }
0x7a: {  	[tilespmem:s9+$0x140] =	vst v1;
	v1 =	vmax.f32 v3, $0.0e+00  }
0x7b: {  	s8 =	sadd.s32 $0x1, s8;
	[tilespmem:s9+$0x150] =	vst v1;
	v1 =	vmax.f32 v5, $0.0e+00  }
0x7c: {  	p1 =	sne.s32 s8, $0x7D;
	[tilespmem:s9+$0x160] =	vst v1;
	v1 =	vmax.f32 v63, $0.0e+00  }
.Ltmp2:
0x7d: {  	[tilespmem:s9+$0x170] =	vst v1;
	(pc) =	sbr.rel @p1 .LBB2_4-.Ltmp2, $4  }
0x7e: {  	[spmem:s6] =	stream.indirect.scatter.add.f32 [tilespmem:s26], [sflag:$0x2], $0x80, s7, s30, $0xb8;
	[tilespmem:$0x16180] =	vst v63  }
0x7f: {  	_ =	swait.ge [sflag:s28], $0x2800  }
0x80: {  	[sflag:s28] =	ssyncset.done $0x0  }
0x81: {  	[sflag:s28] =	ssyncadd.s32 $0xFFFFD800  }
0x82: {  	s0 =	stileid.u32  }
0x83: {  	[bflag:$0x0] =	sbarrier.arrive $0xFFFF;
	s0 =	sshll.u32 s0, $0x6  }
0x84: {  	s8 =	sshrl.u32 s18, $0x3;
	s9 =	rddreg [dreg:$0x6];
	s0 =	sor.u32 $0x1C02, s0  }
0x85: {  	[hbm:s9], [sflag:s0] =	dma.local [spmem:s8], $0x500  }
0x86: {  	_ =	swait.ge [sflag:s28], $0x500  }
0x87: {  	[sflag:s28] =	ssyncset.done $0x0  }
0x88: {  	s10 =	sshrl.u32 s19, $0x3;
	s11 =	rddreg [dreg:$0x7];
	[sflag:s28] =	ssyncadd.s32 $0xFFFFFB00  }
0x89: {  	[hbm:s11], [sflag:s0] =	dma.local [spmem:s10], $0x500  }
0x8a: {  	_ =	swait.ge [sflag:s28], $0x500  }
0x8b: {  	[sflag:s28] =	ssyncset.done $0x0  }
0x8c: {  	s10 =	sshrl.u32 s20, $0x3;
	s11 =	rddreg [dreg:$0x8];
	[sflag:s28] =	ssyncadd.s32 $0xFFFFFB00  }
0x8d: {  	[hbm:s11], [sflag:s0] =	dma.local [spmem:s10], $0x500  }
0x8e: {  	_ =	swait.ge [sflag:s28], $0x500  }
0x8f: {  	[sflag:s28] =	ssyncset.done $0x0  }
0x90: {  	s10 =	sshrl.u32 s21, $0x3;
	s11 =	rddreg [dreg:$0x9];
	[sflag:s28] =	ssyncadd.s32 $0xFFFFFB00  }
0x91: {  	[hbm:s11], [sflag:s0] =	dma.local [spmem:s10], $0x500  }
0x92: {  	_ =	swait.ge [sflag:s28], $0x500  }
0x93: {  	[sflag:s28] =	ssyncset.done $0x0  }
0x94: {  	s9 =	sshrl.u32 s22, $0x3;
	[sflag:s28] =	ssyncadd.s32 $0xFFFFFB00  }
0x95: {  	[hbm:s12], [sflag:s0] =	dma.local [spmem:s9], $0x500  }
0x96: {  	_ =	swait.ge [sflag:s28], $0x500  }
0x97: {  	[sflag:s28] =	ssyncset.done $0x0  }
0x98: {  	s10 =	sshrl.u32 s23, $0x3;
	[sflag:s28] =	ssyncadd.s32 $0xFFFFFB00  }
0x99: {  	[hbm:s13], [sflag:s0] =	dma.local [spmem:s10], $0x500  }
0x9a: {  	_ =	swait.ge [sflag:s28], $0x500  }
0x9b: {  	[sflag:s28] =	ssyncset.done $0x0  }
0x9c: {  	s11 =	sshrl.u32 s24, $0x3;
	[sflag:s28] =	ssyncadd.s32 $0xFFFFFB00  }
0x9d: {  	[hbm:s14], [sflag:s0] =	dma.local [spmem:s11], $0x500  }
0x9e: {  	_ =	swait.ge [sflag:s28], $0x500  }
0x9f: {  	s3 =	sadd.s32 $0x1, s3;
	[sflag:s28] =	ssyncset.done $0x0  }
0xa0: {  	p1 =	sne.s32 s3, s17;
	s8 =	sshrl.u32 @!p0 s25, $0x3;
	[sflag:s28] =	ssyncadd.s32 $0xFFFFFB00  }
0xa1: {  	[hbm:s15], [sflag:s0] =	dma.local @!p0 [spmem:s8], $0x500  }
.Ltmp3:
0xa2: {  	_ = 	snop;
	(pc) =	sbr.rel @p1 .LBB2_1-.Ltmp3, $4  }
0xa3: {  	s0 =	simm.s32 @!p0 $0x2  }
0xa4: {  	_ =	swait.ge @!p0 [sflag:s0], $0x500  }
0xa5: {  	[sflag:s0] =	ssyncset.done @!p0 $0x0  }
0xa6: {  	[sflag:s0] =	ssyncadd.s32 @!p0 $0xFFFFFB00  }
0xa7: {  	_ =	sfence.sel $0x180000  }
0xa8: {  	[bflag:$0x0] =	sbarrier.arrive $0xFFFF  }
0xa9: {  	_ =	strace $0x90000047  }
0xaa: {  	s0 =	stileid.u32;
	[bflag:$0x2] =	sbarrier.arrive $0xFFFF  }
0xab: {  	p0 =	sne.s32 s0, $0x0;
	s0 =	rddreg [dreg:$0x5]  }
0xac: {  	s0 =	sadd.s32 @!p0 $0x100000, s0  }
0xad: {  	[sflag:s0] =	ssyncadd.tile.s32 @!p0 $0x1;
	_ =	shalt  }
.Lfunc_end2:
_tile_overlayer_lowered:
.L_overlay_start_2:
0xae: {  	(tag) =	ssettag $0x2  }
0xaf: {  	s0 =	rddreg [dreg:$0x0];
	s2 =	stileid.u32  }
0xb0: {  	s1 =	rddreg [dreg:$0x1];
	p0 =	sne.s32 s2, $0x0  }
0xb1: {  	s3 =	rddreg [dreg:$0x2];
	[bflag:$0x3] =	sbarrier.arrive $0xFFFF;
	s2 =	simm.s32 @!p0 $0x1C02  }
0xb2: {  	[timem:s3], [sflag:s2] =	dma.local @!p0 [hbm:s0], s1  }
0xb3: {  	s0 =	simm.s32 @!p0 $0x2  }
0xb4: {  	_ =	swait.ge @!p0 [sflag:s0], s1  }
0xb5: {  	s1 =	ssub.s32 @!p0 $0x0, s1;
	[sflag:s0] =	ssyncset.done @!p0 $0x0  }
0xb6: {  	[sflag:s0] =	ssyncadd.s32 @!p0 s1  }
0xb7: {  	[bflag:$0x3] =	sbarrier.arrive $0xFFFF  }
0xb8: {  	_ =	shalt  }

</sc_bundles>
